<compile_context>
chip_gen: v7x
topology: tpu7x:2x2x1
jax: 0.10.2.dev20260603
libtpu: 0.0.44.dev20260713+nightly
codegen_flags: <defaults>
</compile_context>

<pallas_src>
import functools

import jax
import jax.numpy as jnp
from jax import lax
from jax.experimental import pallas as pl
from jax.experimental.pallas import tpu as pltpu
from jax.experimental.pallas import tpu_sc as plsc

_BLK = 1024


def _router_body(x_ref, ut_ref, w1t_ref, b1_ref, w2_ref, b2_ref, idx_ref):
    n_arcs = ut_ref.shape[0]
    f32 = jnp.float32
    ht = jnp.maximum(
        jax.lax.dot_general(w1t_ref[...], x_ref[...],
                            (((1,), (1,)), ((), ())),
                            preferred_element_type=f32) + b1_ref[...], 0.0)
    st = (jax.lax.dot_general(w2_ref[...], ht,
                              (((0,), (0,)), ((), ())),
                              preferred_element_type=f32) + b2_ref[...])
    logits = jax.nn.sigmoid(st)
    u = jnp.clip(ut_ref[...], 1e-10, 1.0 - 1e-10)
    g = -jnp.log(-jnp.log(u))
    score = logits + g
    m = jnp.max(score, axis=0, keepdims=True)
    iota = jax.lax.broadcasted_iota(jnp.int32, score.shape, 0)
    idx_ref[...] = jnp.min(jnp.where(score == m, iota, n_arcs),
                           axis=0, keepdims=True)


def _make_sc_gather(tokens, d):
    info = plsc.get_sparse_core_info()
    nw = info.num_cores * info.num_subcores
    b_per_w = tokens // nw
    mesh = plsc.VectorSubcoreMesh(core_axis_name="c", subcore_axis_name="s")

    @functools.partial(
        pl.kernel, mesh=mesh,
        out_type=jax.ShapeDtypeStruct((tokens, d), jnp.float32),
        scratch_types=[
            pltpu.VMEM((b_per_w,), jnp.int32),
            pltpu.VMEM((b_per_w, d), jnp.float32),
            pltpu.SemaphoreType.DMA,
        ],
    )
    def gather_k(table_hbm, idx_hbm, out_hbm, idx_v, rows_v, sem):
        wid = lax.axis_index("s") * info.num_cores + lax.axis_index("c")
        base = wid * b_per_w
        pltpu.sync_copy(idx_hbm.at[pl.ds(base, b_per_w)], idx_v)
        pltpu.async_copy(table_hbm.at[idx_v], rows_v, sem).wait()
        pltpu.sync_copy(rows_v, out_hbm.at[pl.ds(base, b_per_w)])

    return gather_k


@functools.partial(jax.jit, static_argnames=())
def kernel(state, gumbel_u, W1, b1, W2, b2, shape_table):
    tokens, obs_dim = state.shape
    hidden = W1.shape[1]
    n_arcs = W2.shape[1]
    tab_w = shape_table.shape[1]
    ut = gumbel_u.T
    w1t = W1.T
    b1c = b1.reshape(hidden, 1)
    b2c = b2.reshape(n_arcs, 1)
    grid = (tokens // _BLK,)
    idx2 = pl.pallas_call(
        _router_body,
        grid=grid,
        in_specs=[
            pl.BlockSpec((_BLK, obs_dim), lambda i: (i, 0)),
            pl.BlockSpec((n_arcs, _BLK), lambda i: (0, i)),
            pl.BlockSpec((hidden, obs_dim), lambda i: (0, 0)),
            pl.BlockSpec((hidden, 1), lambda i: (0, 0)),
            pl.BlockSpec((hidden, n_arcs), lambda i: (0, 0)),
            pl.BlockSpec((n_arcs, 1), lambda i: (0, 0)),
        ],
        out_specs=pl.BlockSpec((1, _BLK), lambda i: (0, i)),
        out_shape=jax.ShapeDtypeStruct((1, tokens), jnp.int32),
    )(state, ut, w1t, b1c, W2, b2c)
    idx = idx2.reshape(tokens)
    tab128 = jnp.pad(shape_table, ((0, 0), (0, 128 - tab_w)))
    shp128 = _make_sc_gather(tokens, 128)(tab128, idx)
    return shp128[:, :tab_w], idx

# --- scband reference (transcript-rebuilt; emitter-appended) ---
"""Pipeline reference for scband-hyper-actor-67594195304542 (READ-ONLY COPY).

The authoritative reference and input builder live on the scoring server;
editing this copy changes nothing except your own understanding.
"""

import jax, jax.numpy as jnp
import numpy as np
from itertools import product

OBS_DIM = 2048
ACT_DIM = 32
LAYERS = [64, 128, 256, 512, 1024]
TAU = 1.0
TOKENS = 8192
N_ARCS = 780
HIDDEN = N_ARCS // 2
MAX_LEN = 1 + 2 * 4 + 2  # 11


def _build_shape_table():
    arcs = []
    for k in range(1, 5):
        arcs.extend(list(product(LAYERS, repeat=k)))

    def get_params(net):
        ct = (OBS_DIM + 1) * net[0]
        for i in range(len(net) - 1):
            ct += (net[i] + 1) * net[i + 1]
        ct += (net[-1] + 1) * 2 * ACT_DIM
        return ct

    arcs.sort(key=get_params)
    rows = []
    for arc in arcs:
        si = [0.0]
        for l in arc:
            si += [float(l), float(l)]
        si += [float(ACT_DIM * 2), float(ACT_DIM * 2)]
        si += [-1.0] * (MAX_LEN - len(si))
        rows.append(si)
    return np.asarray(rows, dtype=np.float32)


def setup_inputs(seed: int = 0) -> dict:
    key = jax.random.key(seed)
    k1, k2, k3, k4 = jax.random.split(key, 4)
    state = jax.random.normal(k1, (TOKENS, OBS_DIM), dtype=jnp.float32)
    gumbel_u = jax.random.uniform(k2, (TOKENS, N_ARCS), dtype=jnp.float32)
    W1 = jax.random.normal(k3, (OBS_DIM, HIDDEN), dtype=jnp.float32) * 0.02
    b1 = jnp.zeros((HIDDEN,), dtype=jnp.float32)
    W2 = jax.random.normal(k4, (HIDDEN, N_ARCS), dtype=jnp.float32) * 0.02
    b2 = jnp.zeros((N_ARCS,), dtype=jnp.float32)
    shape_table = jnp.asarray(_build_shape_table())
    return {"state": state, "gumbel_u": gumbel_u, "W1": W1, "b1": b1,
            "W2": W2, "b2": b2, "shape_table": shape_table}


def reference(state, gumbel_u, W1, b1, W2, b2, shape_table):
    # conditional_arc_dist: Linear -> ReLU -> Linear -> Sigmoid
    h = jax.nn.relu(state @ W1 + b1)
    logits = jax.nn.sigmoid(h @ W2 + b2)
    # F.gumbel_softmax(logits, hard=True, tau=TAU)
    eps = 1e-10
    u = jnp.clip(gumbel_u, eps, 1.0 - eps)
    g = -jnp.log(-jnp.log(u))
    y_soft = jax.nn.softmax((logits + g) / TAU, axis=-1)
    sampled_indices = jnp.argmax(y_soft, axis=-1)
    y_hard = jax.nn.one_hot(sampled_indices, y_soft.shape[-1], dtype=y_soft.dtype)
    sampled_one_hot = y_hard - jax.lax.stop_gradient(y_soft) + y_soft
    # sampled_shape_inds = one_hot @ list_of_shape_inds
    sampled_shape_inds = sampled_one_hot @ shape_table
    return sampled_shape_inds, sampled_indices

if __name__ == "__main__":
    import jax
    _d = setup_inputs()
    print(jax.jit(kernel)(*tuple(_d.values())))

</pallas_src>

<mosaic_0001>
#map = affine_map<(d0, d1) -> (0, 0)>
#map1 = affine_map<(d0, d1) -> (0)>
module attributes {stable_mosaic.version = 14 : i64} {
  func.func @gather_k(%arg0: i32, %arg1: i32, %arg2: memref<780x128xf32, #tpu.memory_space<hbm>>, %arg3: memref<8192xi32, #tpu.memory_space<hbm>>, %arg4: memref<8192x128xf32, #tpu.memory_space<hbm>>, %arg5: memref<256xi32, #tpu.memory_space<vmem>>, %arg6: memref<256x128xf32, #tpu.memory_space<vmem>>, %arg7: memref<!tpu.dma_semaphore, #tpu.memory_space<semaphore_mem>>) attributes {dimension_semantics = [#tpu.dimension_semantics<core_parallel>, #tpu.dimension_semantics<subcore_parallel>], iteration_bounds = array<i64: 2, 16>, scalar_prefetch = 0 : i64, scratch_operands = 3 : i64, tpu.core_type = #tpu.core_type<sc_vector_subcore>, window_params = [{transform_indices = #map}, {transform_indices = #map1}, {transform_indices = #map}]} {
    %mul3A = arith.constant 2 : i32
    %mul3A_0 = arith.muli %arg1, %mul3A : i32
    %add3A = arith.addi %mul3A_0, %arg0 : i32
    %mul3A_1 = arith.constant 256 : i32
    %mul3A_2 = arith.muli %add3A, %mul3A_1 : i32
    "tpu.region"() ({
      %run_scoped3A = tpu.sem_alloc : memref<!tpu.dma_semaphore, #tpu.memory_space<semaphore_mem>>
      %dma_start3A_7 = tpu.memref_slice %arg3[%mul3A_2] : memref<8192xi32, #tpu.memory_space<hbm>> -> memref<256xi32, #tpu.memory_space<hbm>>
      %dma_start3A_8 = tpu.memref_slice %arg3[%mul3A_2] : memref<8192xi32, #tpu.memory_space<hbm>> -> memref<256xi32, #tpu.memory_space<hbm>>
      tpu.enqueue_dma source(%dma_start3A_8 : memref<256xi32, #tpu.memory_space<hbm>>) target(%arg5 : memref<256xi32, #tpu.memory_space<vmem>>) target_semaphore(%run_scoped3A : memref<!tpu.dma_semaphore, #tpu.memory_space<semaphore_mem>>)
      %dma_wait3A_9 = tpu.memref_slice %arg3[%mul3A_2] : memref<8192xi32, #tpu.memory_space<hbm>> -> memref<256xi32, #tpu.memory_space<hbm>>
      %dma_wait3A_10 = tpu.memref_slice %arg3[%mul3A_2] : memref<8192xi32, #tpu.memory_space<hbm>> -> memref<256xi32, #tpu.memory_space<hbm>>
      tpu.wait_dma2 semaphore(%run_scoped3A : memref<!tpu.dma_semaphore, #tpu.memory_space<semaphore_mem>>) src(%dma_wait3A_10 : memref<256xi32, #tpu.memory_space<hbm>>) dst(%arg5 : memref<256xi32, #tpu.memory_space<vmem>>)
      tpu.yield
    }) : () -> ()
    %dma_start3A = arith.constant 0 : i32
    %dma_start3A_3 = arith.constant 0 : i32
    %dma_start3A_4 = tpu.memref_slice %arg2[%dma_start3A, %dma_start3A_3] : memref<780x128xf32, #tpu.memory_space<hbm>> -> memref<780x128xf32, #tpu.memory_space<hbm>>
    tpu.enqueue_indirect_dma source(%dma_start3A_4 : memref<780x128xf32, #tpu.memory_space<hbm>>) target(%arg6 : memref<256x128xf32, #tpu.memory_space<vmem>>) offsets(%arg5 : memref<256xi32, #tpu.memory_space<vmem>>) semaphore(%arg7 : memref<!tpu.dma_semaphore, #tpu.memory_space<semaphore_mem>>)
    %dma_wait3A = arith.constant 0 : i32
    %dma_wait3A_5 = arith.constant 0 : i32
    %dma_wait3A_6 = tpu.memref_slice %arg2[%dma_wait3A, %dma_wait3A_5] : memref<780x128xf32, #tpu.memory_space<hbm>> -> memref<780x128xf32, #tpu.memory_space<hbm>>
    tpu.wait_indirect_dma semaphore(%arg7 : memref<!tpu.dma_semaphore, #tpu.memory_space<semaphore_mem>>) src(%dma_wait3A_6 : memref<780x128xf32, #tpu.memory_space<hbm>>) dst(%arg6 : memref<256x128xf32, #tpu.memory_space<vmem>>)
    "tpu.region"() ({
      %run_scoped3A = tpu.sem_alloc : memref<!tpu.dma_semaphore, #tpu.memory_space<semaphore_mem>>
      %dma_start3A_7 = arith.constant 0 : i32
      %dma_start3A_8 = tpu.memref_slice %arg4[%mul3A_2, %dma_start3A_7] : memref<8192x128xf32, #tpu.memory_space<hbm>> -> memref<256x128xf32, #tpu.memory_space<hbm>>
      %dma_start3A_9 = arith.constant 0 : i32
      %dma_start3A_10 = tpu.memref_slice %arg4[%mul3A_2, %dma_start3A_9] : memref<8192x128xf32, #tpu.memory_space<hbm>> -> memref<256x128xf32, #tpu.memory_space<hbm>>
      tpu.enqueue_dma source(%arg6 : memref<256x128xf32, #tpu.memory_space<vmem>>) target(%dma_start3A_10 : memref<256x128xf32, #tpu.memory_space<hbm>>) target_semaphore(%run_scoped3A : memref<!tpu.dma_semaphore, #tpu.memory_space<semaphore_mem>>)
      %dma_wait3A_11 = arith.constant 0 : i32
      %dma_wait3A_12 = tpu.memref_slice %arg4[%mul3A_2, %dma_wait3A_11] : memref<8192x128xf32, #tpu.memory_space<hbm>> -> memref<256x128xf32, #tpu.memory_space<hbm>>
      %dma_wait3A_13 = arith.constant 0 : i32
      %dma_wait3A_14 = tpu.memref_slice %arg4[%mul3A_2, %dma_wait3A_13] : memref<8192x128xf32, #tpu.memory_space<hbm>> -> memref<256x128xf32, #tpu.memory_space<hbm>>
      tpu.wait_dma2 semaphore(%run_scoped3A : memref<!tpu.dma_semaphore, #tpu.memory_space<semaphore_mem>>) src(%arg6 : memref<256x128xf32, #tpu.memory_space<vmem>>) dst(%dma_wait3A_14 : memref<256x128xf32, #tpu.memory_space<hbm>>)
      tpu.yield
    }) : () -> ()
    return
  }
}

module attributes {stable_mosaic.version = 14 : i64} {
  func.func @_router_body(%arg0: i32, %arg1: memref<1024x2048xf32, #tpu.memory_space<vmem>>, %arg2: memref<780x1024xf32, #tpu.memory_space<vmem>>, %arg3: memref<390x2048xf32, #tpu.memory_space<vmem>>, %arg4: memref<390x1xf32, #tpu.memory_space<vmem>>, %arg5: memref<390x780xf32, #tpu.memory_space<vmem>>, %arg6: memref<780x1xf32, #tpu.memory_space<vmem>>, %arg7: memref<1x1024xi32, #tpu.memory_space<vmem>>) attributes {dimension_semantics = [#tpu.dimension_semantics<arbitrary>], iteration_bounds = array<i64: 8>, scalar_prefetch = 0 : i64, scratch_operands = 0 : i64, tpu.core_type = #tpu.core_type<tc>, window_params = [{transform_indices = @transform_0, window_bounds = array<i64: 1024, 2048>}, {transform_indices = @transform_1, window_bounds = array<i64: 780, 1024>}, {pipeline_mode = #tpu.pipeline_mode<synchronous>, transform_indices = @transform_2, window_bounds = array<i64: 390, 2048>}, {pipeline_mode = #tpu.pipeline_mode<synchronous>, transform_indices = @transform_3, window_bounds = array<i64: 390, 1>}, {pipeline_mode = #tpu.pipeline_mode<synchronous>, transform_indices = @transform_4, window_bounds = array<i64: 390, 780>}, {pipeline_mode = #tpu.pipeline_mode<synchronous>, transform_indices = @transform_5, window_bounds = array<i64: 780, 1>}, {transform_indices = @transform_6, window_bounds = array<i64: 1, 1024>}]} {
    %get3A = arith.constant 0 : index
    %get3A_0 = arith.constant 0 : index
    %get3A_1 = vector.load %arg3[%get3A, %get3A_0] : memref<390x2048xf32, #tpu.memory_space<vmem>>, vector<390x2048xf32>
    %get3A_2 = arith.constant 0 : index
    %get3A_3 = arith.constant 0 : index
    %get3A_4 = vector.load %arg1[%get3A_2, %get3A_3] : memref<1024x2048xf32, #tpu.memory_space<vmem>>, vector<1024x2048xf32>
    %dot_general3A = arith.constant dense<0.000000e+00> : vector<390x1024xf32>
    %dot_general3A_5 = tpu.matmul %get3A_1, %get3A_4, %dot_general3A {dimension_numbers = #tpu.dot_dimension_numbers<[1], [1], [0], [0], [0, 0, 1, 0], [], []>, transpose_lhs_hint = false} : vector<390x2048xf32>, vector<1024x2048xf32>, vector<390x1024xf32> -> vector<390x1024xf32>
    %get3A_6 = arith.constant 0 : index
    %get3A_7 = arith.constant 0 : index
    %get3A_8 = vector.load %arg4[%get3A_6, %get3A_7] : memref<390x1xf32, #tpu.memory_space<vmem>>, vector<390x1xf32>
    %add3A = vector.broadcast %get3A_8 : vector<390x1xf32> to vector<390x1024xf32>
    %add3A_9 = arith.addf %dot_general3A_5, %add3A : vector<390x1024xf32>
    %max3A = arith.constant 0.000000e+00 : f32
    %max3A_10 = vector.broadcast %max3A : f32 to vector<390x1024xf32>
    %max3A_11 = arith.maximumf %add3A_9, %max3A_10 : vector<390x1024xf32>
    %get3A_12 = arith.constant 0 : index
    %get3A_13 = arith.constant 0 : index
    %get3A_14 = vector.load %arg5[%get3A_12, %get3A_13] : memref<390x780xf32, #tpu.memory_space<vmem>>, vector<390x780xf32>
    %dot_general3A_15 = arith.constant dense<0.000000e+00> : vector<780x1024xf32>
    %dot_general3A_16 = tpu.matmul %get3A_14, %max3A_11, %dot_general3A_15 {dimension_numbers = #tpu.dot_dimension_numbers<[0], [0], [1], [1], [0, 1, 1, 1], [], []>, transpose_lhs_hint = false} : vector<390x780xf32>, vector<390x1024xf32>, vector<780x1024xf32> -> vector<780x1024xf32>
    %get3A_17 = arith.constant 0 : index
    %get3A_18 = arith.constant 0 : index
    %get3A_19 = vector.load %arg6[%get3A_17, %get3A_18] : memref<780x1xf32, #tpu.memory_space<vmem>>, vector<780x1xf32>
    %add3A_20 = vector.broadcast %get3A_19 : vector<780x1xf32> to vector<780x1024xf32>
    %add3A_21 = arith.addf %dot_general3A_16, %add3A_20 : vector<780x1024xf32>
    %logistic3A = arith.negf %add3A_21 : vector<780x1024xf32>
    %logistic3A_22 = math.exp %logistic3A : vector<780x1024xf32>
    %logistic3A_23 = arith.constant 1.000000e+00 : f32
    %logistic3A_24 = vector.broadcast %logistic3A_23 : f32 to vector<780x1024xf32>
    %logistic3A_25 = arith.addf %logistic3A_24, %logistic3A_22 : vector<780x1024xf32>
    %logistic3A_26 = arith.divf %logistic3A_24, %logistic3A_25 : vector<780x1024xf32>
    %get3A_27 = arith.constant 0 : index
    %get3A_28 = arith.constant 0 : index
    %get3A_29 = vector.load %arg2[%get3A_27, %get3A_28] : memref<780x1024xf32, #tpu.memory_space<vmem>>, vector<780x1024xf32>
    %jit3A = arith.constant 1.000000e-10 : f32
    %jit3A_30 = arith.constant 1.000000e+00 : f32
    %max3A_31 = vector.broadcast %jit3A : f32 to vector<780x1024xf32>
    %max3A_32 = arith.maximumf %max3A_31, %get3A_29 : vector<780x1024xf32>
    %min3A = vector.broadcast %jit3A_30 : f32 to vector<780x1024xf32>
    %min3A_33 = arith.minimumf %min3A, %max3A_32 : vector<780x1024xf32>
    %log3A = math.log %min3A_33 : vector<780x1024xf32>
    %neg3A = arith.constant 0.000000e+00 : f32
    %neg3A_34 = vector.broadcast %neg3A : f32 to vector<780x1024xf32>
    %neg3A_35 = arith.subf %neg3A_34, %log3A : vector<780x1024xf32>
    %log3A_36 = math.log %neg3A_35 : vector<780x1024xf32>
    %neg3A_37 = arith.constant 0.000000e+00 : f32
    %neg3A_38 = vector.broadcast %neg3A_37 : f32 to vector<780x1024xf32>
    %neg3A_39 = arith.subf %neg3A_38, %log3A_36 : vector<780x1024xf32>
    %add3A_40 = arith.addf %logistic3A_26, %neg3A_39 : vector<780x1024xf32>
    %reduce_max3A = arith.constant dense<0xFF800000> : vector<1024xf32>
    %reduce_max3A_41 = vector.multi_reduction <maximumf>, %add3A_40, %reduce_max3A [0] : vector<780x1024xf32> to vector<1024xf32>
    %broadcast_in_dim3A = vector.shape_cast %reduce_max3A_41 : vector<1024xf32> to vector<1x1024xf32>
    %iota3A = tpu.iota {dimensions = array<i32: 0>} : vector<780x1024xi32>
    %eq3A = vector.broadcast %broadcast_in_dim3A : vector<1x1024xf32> to vector<780x1024xf32>
    %eq3A_42 = arith.cmpf oeq, %add3A_40, %eq3A : vector<780x1024xf32>
    %jit3A_43 = arith.constant 780 : i32
    %broadcast_in_dim3A_44 = vector.broadcast %jit3A_43 : i32 to vector<780x1024xi32>
    %select_n3A = arith.select %eq3A_42, %iota3A, %broadcast_in_dim3A_44 : vector<780x1024xi1>, vector<780x1024xi32>
    %reduce_min3A = arith.constant dense<2147483647> : vector<1024xi32>
    %reduce_min3A_45 = vector.multi_reduction <minsi>, %select_n3A, %reduce_min3A [0] : vector<780x1024xi32> to vector<1024xi32>
    %broadcast_in_dim3A_46 = vector.shape_cast %reduce_min3A_45 : vector<1024xi32> to vector<1x1024xi32>
    %swap3A = arith.constant 0 : index
    %swap3A_47 = arith.constant 0 : index
    %swap3A_48 = vector.load %arg7[%swap3A, %swap3A_47] : memref<1x1024xi32, #tpu.memory_space<vmem>>, vector<1x1024xi32>
    tpu.vector_store %arg7[%swap3A, %swap3A_47], %broadcast_in_dim3A_46 {strides = array<i32>} : memref<1x1024xi32, #tpu.memory_space<vmem>>, vector<1x1024xi32>,
    return
  }
  func.func @transform_0(%arg0: i32) -> (i32, i32) {
    %c0_i32 = arith.constant 0 : i32
    %c0_i32_0 = arith.constant 0 : i32
    return %arg0, %c0_i32 : i32, i32
  }
  func.func @transform_1(%arg0: i32) -> (i32, i32) {
    %c0_i32 = arith.constant 0 : i32
    %c0_i32_0 = arith.constant 0 : i32
    return %c0_i32, %arg0 : i32, i32
  }
  func.func @transform_2(%arg0: i32) -> (i32, i32) {
    %c0_i32 = arith.constant 0 : i32
    %c0_i32_0 = arith.constant 0 : i32
    %c0_i32_1 = arith.constant 0 : i32
    return %c0_i32, %c0_i32_0 : i32, i32
  }
  func.func @transform_3(%arg0: i32) -> (i32, i32) {
    %c0_i32 = arith.constant 0 : i32
    %c0_i32_0 = arith.constant 0 : i32
    %c0_i32_1 = arith.constant 0 : i32
    return %c0_i32, %c0_i32_0 : i32, i32
  }
  func.func @transform_4(%arg0: i32) -> (i32, i32) {
    %c0_i32 = arith.constant 0 : i32
    %c0_i32_0 = arith.constant 0 : i32
    %c0_i32_1 = arith.constant 0 : i32
    return %c0_i32, %c0_i32_0 : i32, i32
  }
  func.func @transform_5(%arg0: i32) -> (i32, i32) {
    %c0_i32 = arith.constant 0 : i32
    %c0_i32_0 = arith.constant 0 : i32
    %c0_i32_1 = arith.constant 0 : i32
    return %c0_i32, %c0_i32_0 : i32, i32
  }
  func.func @transform_6(%arg0: i32) -> (i32, i32) {
    %c0_i32 = arith.constant 0 : i32
    %c0_i32_0 = arith.constant 0 : i32
    return %c0_i32, %arg0 : i32, i32
  }
}

</mosaic_0001>

<sc_bundles>
// kernel: kernel.4.cloned.1.call-start
scs
__scs_entry_jumppad:
0x0: {  	(pc) =	sbr.rel $0x88, $3  }
0x1: {  	(tag) =	ssettag $0x0;
	lr =	simm.s32 $0x1  }
0x2: {  	[smem:$0x3F9A] =	sst lr;
	_ =	strace $0xD0000000  }
0x3: {  	_ = 	snop  }
0x4: {  	_ = 	snop  }
0x5: {  	_ = 	snop  }
0x6: {  	_ = 	snop  }
0x7: {  	_ = 	snop  }
__scs_overlays_trampoline_lowered:
0x8: {  	[smem:$0x3FA9] =	sst s0  }
0x9: {  	[smem:$0x3FAA] =	sst s1  }
0xa: {  	[smem:$0x3FAB] =	sst s2  }
0xb: {  	[smem:$0x3FAC] =	sst s3  }
0xc: {  	[smem:$0x3FAD] =	sst s4  }
0xd: {  	[smem:$0x3FAE] =	sst s5  }
0xe: {  	[smem:$0x3FAF] =	sst s6  }
0xf: {  	[smem:$0x3FB0] =	sst s7  }
0x10: {  	[smem:$0x3FB1] =	sst s8  }
0x11: {  	[smem:$0x3FB2] =	sst s9;
	s0 =	simm.s32 @!p0 $0x0  }
0x12: {  	s1 =	sld [smem:$0x3F98];
	s0 =	simm.s32 @p0 $0x1  }
0x13: {  	[smem:$0x3FB3] =	sst s0;
	s0 =	simm.s32 @!p1 $0x0  }
0x14: {  	s2 =	sld [smem:$0x3F97];
	s0 =	simm.s32 @p1 $0x1  }
0x15: {  	[smem:$0x3FB4] =	sst s0;
	s0 =	simm.s32 @!p2 $0x0  }
0x16: {  	s3 =	sld [smem:$0x3FDB];
	s0 =	simm.s32 @p2 $0x1  }
0x17: {  	s4 =	simm.s32 $0x1BF5;
	[smem:$0x3FB6] =	sst s0  }
0x18: {  	s0 =	sld [smem:$0x3F99];
	_ =	swait.ge [sflag:s4], $0x0  }
0x19: {  	s7 =	sld [smem:$0x3F9A]  }
0x1a: {  	s8 =	sadd.s32 $0xFFFFE003, lr  }
0x1b: {  	s9 =	sadd.s32 $0xFFFFFEF7, lr;
	s5 =	simm.s32 $0xFFFFFFFF;
	p2 =	slt.u32 s8, $0xFFFFF086  }
0x1c: {  	p1 =	slt.u32 s9, $0xF7A;
	s5 =	simm.s32 @!p2 $0x0  }
0x1d: {  	s5 =	simm.s32 @p1 $0x1;
	p0 =	seq.s32 s7, s2  }
0x1e: {  	s7 =	smul.u32 @!p0 $0xF7A, s2;
	p2 =	seq.s32 @!p0 s5, $0x0  }
0x1f: {  	s9 =	smul.u32 $0xF7A, s1;
	s8 =	simm.s32 @!p0 $0x1BF5;
	p2 =	por !p2, p0  }
0x20: {  	[sflag:s8] =	ssyncset.s32 @!p0 $0xFFFFF086;
	s6 =	sadd.s32 @!p0 s3, s7;
	s7 =	simm.s32 @!p0 $0x108  }
0x21: {  	s3 =	sadd.s32 s3, s9;
	s6 =	sadd.s32 @!p0 $0x88, s6;
	s7 =	simm.s32 @p2 $0x1082  }
0x22: {  	[simem:s7], [sflag:s8] =	dma.local @!p0 [hbm:s6], $0xF7A  }
0x23: {  	s9 =	sor.u32 $0xD0000000, s2;
	s6 =	simm.s32 $0x108;
	_ =	swait.ge @!p0 [sflag:s8], $0x0  }
0x24: {  	s3 =	sadd.s32 $0x88, s3;
	s6 =	simm.s32 @!p1 $0x1082;
	[sflag:s4] =	ssyncset.s32 $0xFFFFF086  }
0x25: {  	[simem:s6], [sflag:s4] =	dma.local [hbm:s3], $0xF7A  }
0x26: {  	[smem:$0x3F9A] =	sst s1;
	(tag) =	ssettag s2;
	_ =	strace s9  }
0x27: {  	s1 =	sld [smem:$0x3FAA]  }
0x28: {  	s2 =	sld [smem:$0x3FAB]  }
0x29: {  	s4 =	sld [smem:$0x3FAD]  }
0x2a: {  	p0 =	seq.s32 s5, $0x0;
	s5 =	sld [smem:$0x3FAE]  }
0x2b: {  	s6 =	sld [smem:$0x3FAF]  }
0x2c: {  	s7 =	sld [smem:$0x3FB0]  }
0x2d: {  	s3 =	simm.s32 $0x108;
	s8 =	sld [smem:$0x3FB1]  }
0x2e: {  	s3 =	simm.s32 @!p0 $0x1082;
	s9 =	sld [smem:$0x3FB2]  }
0x2f: {  	lr =	sadd.s32 s0, s3;
	s0 =	sld [smem:$0x3FA9]  }
0x30: {  	s3 =	sld [smem:$0x3FAC]  }
0x31: {  	[smem:$0x3FB5] =	sst s10  }
0x32: {  	s10 =	sld [smem:$0x3FB3];
	_ =	sdelay $0x3  }
0x33: {  	p0 =	seq.s32 s10, $0x1;
	s10 =	sld [smem:$0x3FB5];
	_ =	sdelay $0x3  }
0x34: {  	[smem:$0x3FB5] =	sst s10  }
0x35: {  	s10 =	sld [smem:$0x3FB4];
	_ =	sdelay $0x3  }
0x36: {  	p1 =	seq.s32 s10, $0x1;
	s10 =	sld [smem:$0x3FB5];
	_ =	sdelay $0x3  }
0x37: {  	[smem:$0x3FB5] =	sst s10  }
0x38: {  	s10 =	sld [smem:$0x3FB6]  }
0x39: {  	_ = 	snop;
	(pc) =	sbr.ind lr, $3  }
0x3a: {  	_ = 	snop  }
0x3b: {  	_ = 	snop  }
0x3c: {  	p2 =	seq.s32 s10, $0x1;
	s10 =	sld [smem:$0x3FB5]  }
0x3d: {  	_ =	shalt  }
0x3e: {  	_ =	shalt  }
0x3f: {  	_ =	shalt  }
0x40: {  	_ =	shalt  }
0x41: {  	_ =	shalt  }
0x42: {  	_ =	shalt  }
0x43: {  	_ =	shalt  }
0x44: {  	_ =	shalt  }
0x45: {  	_ =	shalt  }
0x46: {  	_ =	shalt  }
0x47: {  	_ =	shalt  }
0x48: {  	_ =	shalt  }
0x49: {  	_ =	shalt  }
0x4a: {  	_ =	shalt  }
0x4b: {  	_ =	shalt  }
0x4c: {  	_ =	shalt  }
0x4d: {  	_ =	shalt  }
0x4e: {  	_ =	shalt  }
0x4f: {  	_ =	shalt  }
0x50: {  	_ =	shalt  }
0x51: {  	_ =	shalt  }
0x52: {  	_ =	shalt  }
0x53: {  	_ =	shalt  }
0x54: {  	_ =	shalt  }
0x55: {  	_ =	shalt  }
0x56: {  	_ =	shalt  }
0x57: {  	_ =	shalt  }
0x58: {  	_ =	shalt  }
0x59: {  	_ =	shalt  }
0x5a: {  	_ =	shalt  }
0x5b: {  	_ =	shalt  }
0x5c: {  	_ =	shalt  }
0x5d: {  	_ =	shalt  }
0x5e: {  	_ =	shalt  }
0x5f: {  	_ =	shalt  }
0x60: {  	_ =	shalt  }
0x61: {  	_ =	shalt  }
0x62: {  	_ =	shalt  }
0x63: {  	_ =	shalt  }
0x64: {  	_ =	shalt  }
0x65: {  	_ =	shalt  }
0x66: {  	_ =	shalt  }
0x67: {  	_ =	shalt  }
0x68: {  	_ =	shalt  }
0x69: {  	_ =	shalt  }
0x6a: {  	_ =	shalt  }
0x6b: {  	_ =	shalt  }
0x6c: {  	_ =	shalt  }
0x6d: {  	_ =	shalt  }
0x6e: {  	_ =	shalt  }
0x6f: {  	_ =	shalt  }
0x70: {  	_ =	shalt  }
0x71: {  	_ =	shalt  }
0x72: {  	_ =	shalt  }
0x73: {  	_ =	shalt  }
0x74: {  	_ =	shalt  }
0x75: {  	_ =	shalt  }
0x76: {  	_ =	shalt  }
0x77: {  	_ =	shalt  }
0x78: {  	_ =	shalt  }
0x79: {  	_ =	shalt  }
0x7a: {  	_ =	shalt  }
0x7b: {  	_ =	shalt  }
0x7c: {  	_ =	shalt  }
0x7d: {  	_ =	shalt  }
0x7e: {  	_ =	shalt  }
0x7f: {  	_ =	shalt  }
0x80: {  	_ =	shalt  }
0x81: {  	_ =	shalt  }
0x82: {  	_ =	shalt  }
0x83: {  	_ =	shalt  }
0x84: {  	_ =	shalt  }
0x85: {  	_ =	shalt  }
0x86: {  	_ =	shalt  }
0x87: {  	_ =	shalt  }
.Lfunc_end0:
.L_simem_size_0:
called_computation_lowered:
.L_overlay_start_0:
0x88: {  	s2 =	sld [smem:$0x3FD9]  }
0x89: {  	s3 =	sld [smem:$0x3FFE];
	_ =	sdelay $0x1  }
0x8a: {  	s1 =	srdreg.scid  }
0x8b: {  	s0 =	sand.u32 $0x1, s1  }
0x8c: {  	s14 =	sshll.u32 s0, $0xA;
	s2 =	sadd.s32 s3, s2  }
0x8d: {  	s2 =	sadd.s32 s2, s14  }
0x8e: {  	[smem:$0x3FC1] =	sst s2  }
0x8f: {  	_ = 	snop  }
0x90: {  	s2 =	sld [smem:$0x3FD0];
	_ =	sdelay $0x2  }
0x91: {  	s15 =	simm.s32 $0xA;
	s4 =	simm.s32 $0x10  }
0x92: {  	[smem:s4], [sflag:s15] =	dma.local [hbm:s2], $0x1  }
0x93: {  	_ =	swait.eq [sflag:s15], $0x1  }
0x94: {  	[sflag:s15] =	ssyncset.done $0x0  }
0x95: {  	s16 =	sld [smem:$0x10];
	[sflag:s15] =	ssyncadd.s32 $0xFFFFFFFF  }
0x96: {  	s17 =	sld [smem:$0x11];
	(tm) =	ssettm $0x1  }
0x97: {  	s18 =	sld [smem:$0x3FFB];
	_ =	sdelay $0x3  }
0x98: {  	_ =	strace s18  }
0x99: {  	s4 =	sld [smem:$0x3FFC];
	_ =	sdelay $0x3  }
0x9a: {  	_ =	strace s4  }
0x9b: {  	s4 =	sld [smem:$0x3FFD];
	_ =	sdelay $0x3  }
0x9c: {  	_ =	strace s4  }
0x9d: {  	_ =	strace $0x8FFFFFFF  }
0x9e: {  	s19 =	sld [smem:$0x3FDB];
	_ =	sdelay $0x1  }
0x9f: {  	s5 =	simm.s32 $_scs_section_size  }
0xa0: {  	s6 =	simm.s32 $_size__tile_overlayer_lowered;
	s7 =	simm.s32 $_tile_overlayer_lowered  }
0xa1: {  	s22 =	simm.s32 $0x1BFF;
	s21 =	sshll.u32 s7, $0x1;
	s4 =	sadd.s32 s5, s19  }
0xa2: {  	s8 =	simm.s32 $0x0;
	s20 =	sshll.u32 s6, $0x1;
	s6 =	sadd.s32 s21, s4  }
0xa3: {  	[timem:s8], [sflag:s22] =	dma.local [hbm:s6], s20  }
0xa4: {  	_ =	swait.ge [sflag:s22], s20  }
0xa5: {  	s5 =	ssub.s32 $0x0, s20;
	[sflag:s22] =	ssyncset.done $0x0  }
0xa6: {  	[sflag:s22] =	ssyncadd.s32 s5;
	_ =	sdelay $0x1  }
0xa7: {  	s23 =	simm.s32 $0x1B8B  }
0xa8: {  	_ =	swait.ge [sflag:s23], $0x1  }
0xa9: {  	[sflag:s23] =	ssyncset.done $0x0  }
0xaa: {  	s25 =	simm.s32 $0x1B8E;
	s24 =	sld [smem:$0x3FFE];
	[sflag:s23] =	ssyncadd.s32 $0xFFFFFFFF  }
0xab: {  	s26 =	simm.s32 $execute0_lowered;
	[smem:$0x3FD2] =	sst s25  }
0xac: {  	s6 =	sshll.u32 s26, $0x1;
	_ =	strace $0x80000046;
	[dreg:$0x1] =	wrdreg $0xFFFFFFFF  }
0xad: {  	s28 =	simm.s32 $_size_execute0_lowered;
	s4 =	sadd.s32 s4, s6;
	[dreg:$0x0] =	wrdreg $0x0  }
0xae: {  	s6 =	sshll.u32 s28, $0x1;
	[dreg:$0x2] =	wrdreg s4  }
0xaf: {  	[dreg:$0x3] =	wrdreg s6  }
0xb0: {  	[dreg:$0x4] =	wrdreg $0xC0  }
0xb1: {  	_ =	task [dreg:s8], $0x5FFFF  }
0xb2: {  	[dreg:$0x1] =	wrdreg $0xFFFFFFFF  }
0xb3: {  	[dreg:$0x0] =	wrdreg $0x60  }
0xb4: {  	[dreg:$0x2] =	wrdreg s16  }
0xb5: {  	[dreg:$0x3] =	wrdreg s17  }
0xb6: {  	[dreg:$0x4] =	wrdreg s24  }
0xb7: {  	[dreg:$0x5] =	wrdreg $0x9  }
0xb8: {  	_ =	task.clear_ibuf [dreg:s8], $0x6FFFF;
	_ =	strace $0x90000046  }
0xb9: {  	s29 =	simm.s32 $0x9;
	_ =	strace $0x80000048  }
0xba: {  	_ =	swait.ge [sflag:s29], $0x1  }
0xbb: {  	[sflag:s29] =	ssyncadd.s32 $0xFFFFFFFF  }
0xbc: {  	_ =	strace $0x90000048  }
0xbd: {  	_ =	sfence  }
0xbe: {  	s30 =	sld [smem:$0x0];
	_ =	sdelay $0x2  }
0xbf: {  	s31 =	sshll.u32 s1, $0xD;
	s1 =	sshrl.u32 s1, $0x2  }
0xc0: {  	s3 =	sand.u32 $0x4000, s31;
	s1 =	sadd.s32 s1, s30  }
0xc1: {  	s0 =	sor.u32 s3, s0;
	s1 =	sshll.u32 s1, $0x11  }
0xc2: {  	s0 =	sor.u32 s1, s0  }
0xc3: {  	s0 =	sadd.s32 $0x8F2B, s0  }
0xc4: {  	[sflag:s0] =	ssyncadd.remote.s32 $0x1  }
0xc5: {  	_ =	sfence.sel $0xFFFF  }
0xc6: {  	[dreg:$0x0] =	wrdreg $0xFFFFFFFF;
	(pc) =	sbr.abs _section_cstart, $3  }
0xc7: {  	[dreg:$0x1] =	wrdreg $0xFFFFFFFF  }
0xc8: {  	_ =	task.clear_ibuf [dreg:s8], $0x2FFFF;
	_ =	strace $0x9FFFFFFF  }
0xc9: {  	(tm) =	ssettm $0x7FFFFFFF  }
tec
execute0_lowered:
.L_overlay_start_1:
0x0: {  	(tag) =	ssettag $0x1  }
0x1: {  	s1 =	rddreg [dreg:$0x0];
	s2 =	srdreg.scid  }
0x2: {  	s4 =	rddreg [dreg:$0x1];
	s0 =	stileid.u32  }
0x3: {  	s8 =	rddreg [dreg:$0x2];
	s3 =	simm.s32 $0x0;
	s6 =	sand.u32 $0x1, s2  }
0x4: {  	s5 =	sshll.u32 s0, $0x9;
	s2 =	rddreg [dreg:$0x3];
	s7 =	sshll.u32 s6, $0x8  }
0x5: {  	[smem:$0x7FF] =	sst s3;
	s9 =	sor.u32 s7, s5  }
0x6: {  	_ =	strace $0x80000047;
	s10 =	ssub.s32 $0x2, s6;
	s5 =	sshrl.u32 s9, $0x3  }
0x7: {  	s6 =	simm.s32 $0x100;
	s5 =	sadd.s32 s4, s5;
	s4 =	simm.s32 $0x2  }
0x8: {  	[tilespmem:s3], [sflag:$0x2] =	stream.linear.gather [hbm4b:s5+s3], $0x100, $0x38;
	[tilespmem:$0x8100] =	vst v63  }
0x9: {  	s7 =	simm.s32 $0x1;
	s11 =	sshrl.u32 s10, $0x1;
	_ =	swait.ge [sflag:s4], $0x100  }
0xa: {  	s9 =	sshll.u32 s9, $0x4;
	s31 =	ssub.s32 s10, s11;
	[sflag:s4] =	ssyncset.done $0x0  }
0xb: {  	s8 =	sadd.s32 s9, s8;
	s9 =	smax.u32 s31, $0x1;
	[sflag:s4] =	ssyncadd.s32 $0xFFFFFF00  }
0xc: {  	[tilespmem:s6], [sflag:$0x1] =	stream.indirect.gather [hbm4b:s1+s6], $0x80, s3, s6, $0xb8;
	[tilespmem:$0x8100] =	vst v63  }
0xd: {  	p0 =	sne.s32 s9, $0x1;
	_ =	swait.ge [sflag:s7], $0x8000  }
.Ltmp0:
0xe: {  	[sflag:s7] =	ssyncset.done $0x0;
	(pc) =	sbr.rel @!p0 .LBB2_2-.Ltmp0, $4  }
0xf: {  	s8 =	sadd.s32 $0x800, s8;
	[sflag:s7] =	ssyncadd.s32 $0xFFFF8000  }
0x10: {  	[hbm4b:s8+s3] =	stream.linear.scatter [tilespmem:s6], [sflag:$0x2], $0x8000, $0x38;
	[tilespmem:$0x8100] =	vst v63  }
0x11: {  	_ =	swait.ge [sflag:s4], $0x8000  }
0x12: {  	s9 =	sadd.s32 $0xFFFFFFFF, s9;
	[sflag:s4] =	ssyncset.done $0x0  }
.LBB2_1:
0x13: {  	p0 =	sne.s32 s9, $0x1;
	s9 =	sadd.s32 $0xFFFFFFFF, s9;
	[sflag:s4] =	ssyncadd.s32 $0xFFFF8000  }
0x14: {  	[tilespmem:s3], [sflag:$0x2] =	stream.linear.gather [hbm4b:s5+s3], $0x100, $0x38;
	[tilespmem:$0x8100] =	vst v63  }
0x15: {  	_ =	swait.ge [sflag:s4], $0x100  }
0x16: {  	[sflag:s4] =	ssyncset.done $0x0  }
0x17: {  	[sflag:s4] =	ssyncadd.s32 $0xFFFFFF00  }
0x18: {  	[tilespmem:s6], [sflag:$0x1] =	stream.indirect.gather [hbm4b:s1+s6], $0x80, s3, s6, $0xb8;
	[tilespmem:$0x8100] =	vst v63  }
0x19: {  	_ =	swait.ge [sflag:s7], $0x8000  }
.Ltmp1:
0x1a: {  	[sflag:s7] =	ssyncset.done $0x0;
	(pc) =	sbr.rel @p0 .LBB2_1-.Ltmp1, $4  }
0x1b: {  	[sflag:s7] =	ssyncadd.s32 $0xFFFF8000  }
0x1c: {  	[hbm4b:s8+s3] =	stream.linear.scatter [tilespmem:s6], [sflag:$0x2], $0x8000, $0x38;
	[tilespmem:$0x8100] =	vst v63  }
0x1d: {  	_ =	swait.ge [sflag:s4], $0x8000  }
0x1e: {  	[sflag:s4] =	ssyncset.done $0x0  }
.LBB2_2:
0x1f: {  	[sflag:s4] =	ssyncadd.s32 $0xFFFF8000  }
0x20: {  	_ =	sfence.sel $0x180000  }
0x21: {  	[bflag:$0x0] =	sbarrier.arrive $0xFFFF  }
0x22: {  	p0 =	sne.s32 s0, $0x0;
	_ =	strace $0x90000047  }
0x23: {  	s0 =	sadd.s32 @!p0 $0x100000, s2;
	[bflag:$0x2] =	sbarrier.arrive $0xFFFF  }
0x24: {  	[sflag:s0] =	ssyncadd.tile.s32 @!p0 $0x1;
	_ =	shalt  }
.Lfunc_end2:
_tile_overlayer_lowered:
.L_overlay_start_2:
0x25: {  	(tag) =	ssettag $0x2  }
0x26: {  	s0 =	rddreg [dreg:$0x0];
	s2 =	stileid.u32  }
0x27: {  	s1 =	rddreg [dreg:$0x1];
	p0 =	sne.s32 s2, $0x0  }
0x28: {  	s3 =	rddreg [dreg:$0x2];
	[bflag:$0x3] =	sbarrier.arrive $0xFFFF;
	s2 =	simm.s32 @!p0 $0x1C02  }
0x29: {  	[timem:s3], [sflag:s2] =	dma.local @!p0 [hbm:s0], s1  }
0x2a: {  	s0 =	simm.s32 @!p0 $0x2  }
0x2b: {  	_ =	swait.ge @!p0 [sflag:s0], s1  }
0x2c: {  	s1 =	ssub.s32 @!p0 $0x0, s1;
	[sflag:s0] =	ssyncset.done @!p0 $0x0  }
0x2d: {  	[sflag:s0] =	ssyncadd.s32 @!p0 s1  }
0x2e: {  	[bflag:$0x3] =	sbarrier.arrive $0xFFFF  }
0x2f: {  	_ =	shalt  }

</sc_bundles>
